<compile_context>
chip_gen: v7x
topology: tpu7x:2x2x1
jax: 0.10.2.dev20260603
libtpu: 0.0.44.dev20260713+nightly
codegen_flags: <defaults>
</compile_context>

<pallas_src>
import functools

import jax
import jax.numpy as jnp
from jax import lax
from jax.experimental import pallas as pl
from jax.experimental.pallas import tpu as pltpu
from jax.experimental.pallas import tpu_sc as plsc

_DIM = 4096
_NC = 2
_NS = 16
_NW = _NC * _NS
_ROWS_PER_W = _DIM // _NW
_CHUNK = 8
_NCHUNK = _ROWS_PER_W // _CHUNK
_L = 16
_UNROLL = 8
_NJ = _DIM // (_L * _UNROLL)


@functools.partial(
    pl.kernel,
    out_type=jax.ShapeDtypeStruct((_DIM, _DIM), jnp.float32),
    mesh=plsc.VectorSubcoreMesh(core_axis_name="c", subcore_axis_name="s"),
    scratch_types=[pltpu.VMEM((_CHUNK, _DIM), jnp.float32)],
)
def _sc_softmax(logits_hbm, out_hbm, buf):
    wid = lax.axis_index("s") * _NC + lax.axis_index("c")
    base = wid * _ROWS_PER_W

    def process_row(r, carry):
        def pass_a(j, accs):
            col0 = j * (_L * _UNROLL)
            new = []
            for k in range(_UNROLL):
                sl = pl.ds(col0 + k * _L, _L)
                e = jnp.exp(buf[r, sl])
                buf[r, sl] = e
                new.append(accs[k] + e)
            return tuple(new)

        accs = lax.fori_loop(
            0, _NJ, pass_a,
            tuple(jnp.zeros((_L,), jnp.float32) for _ in range(_UNROLL)))
        s0 = (accs[0] + accs[1]) + (accs[2] + accs[3])
        s1 = (accs[4] + accs[5]) + (accs[6] + accs[7])
        svec = s0 + s1
        lane = lax.iota(jnp.int32, _L)
        dnums = lax.GatherDimensionNumbers(
            offset_dims=(), collapsed_slice_dims=(0,), start_index_map=(0,))
        for shift in (8, 4, 2, 1):
            partner = jnp.bitwise_xor(lane, shift)
            svec = svec + lax.gather(
                svec, partner[:, None], dnums, slice_sizes=(1,),
                mode=lax.GatherScatterMode.PROMISE_IN_BOUNDS)
        inv = 1.0 / svec

        def pass_b(j, c):
            col0 = j * (_L * _UNROLL)
            for k in range(_UNROLL):
                sl = pl.ds(col0 + k * _L, _L)
                buf[r, sl] = buf[r, sl] * inv
            return c

        lax.fori_loop(0, _NJ, pass_b, 0)
        return carry

    def chunk(ci, carry):
        row0 = base + ci * _CHUNK
        pltpu.sync_copy(logits_hbm.at[pl.ds(row0, _CHUNK)], buf)
        lax.fori_loop(0, _CHUNK, process_row, 0)
        pltpu.sync_copy(buf, out_hbm.at[pl.ds(row0, _CHUNK)])
        return carry

    lax.fori_loop(0, _NCHUNK, chunk, 0)


def kernel(x, logits):
    del x
    return _sc_softmax(logits)

# --- scband reference (transcript-rebuilt; emitter-appended) ---
"""Pipeline reference for scband-simple-soft-permutation-32744830664794 (READ-ONLY COPY).

The authoritative reference and input builder live on the scoring server;
editing this copy changes nothing except your own understanding.
"""

import jax, jax.numpy as jnp
import numpy as np

DIM = 4096
TEMPERATURE = 1.0


def setup_inputs(seed: int = 0) -> dict:
    key = jax.random.key(seed)
    kx, kl = jax.random.split(key)
    x = jax.random.normal(kx, (1, DIM), dtype=jnp.float32)
    logits = jax.random.normal(kl, (DIM, DIM), dtype=jnp.float32) * 0.1
    return {"x": x, "logits": logits}


def reference(x, logits):
    # hard=False path: simple row-wise softmax over logits / temperature.
    # x is accepted but unused, matching the torch forward(x=None) signature.
    row_normalized = jax.nn.softmax(logits / TEMPERATURE, axis=1)
    return row_normalized

if __name__ == "__main__":
    import jax
    _d = setup_inputs()
    print(jax.jit(kernel)(*tuple(_d.values())))

</pallas_src>

<mosaic_0001>
#map = affine_map<(d0, d1) -> (0, 0)>
module attributes {stable_mosaic.version = 14 : i64} {
  func.func @_sc_softmax(%arg0: i32, %arg1: i32, %arg2: memref<4096x4096xf32, #tpu.memory_space<hbm>>, %arg3: memref<4096x4096xf32, #tpu.memory_space<hbm>>, %arg4: memref<8x4096xf32, #tpu.memory_space<vmem>>) attributes {dimension_semantics = [#tpu.dimension_semantics<core_parallel>, #tpu.dimension_semantics<subcore_parallel>], iteration_bounds = array<i64: 2, 16>, scalar_prefetch = 0 : i64, scratch_operands = 1 : i64, tpu.core_type = #tpu.core_type<sc_vector_subcore>, window_params = [{transform_indices = #map}, {transform_indices = #map}]} {
    %mul3A = arith.constant 2 : i32
    %mul3A_0 = arith.muli %arg1, %mul3A : i32
    %add3A = arith.addi %mul3A_0, %arg0 : i32
    %mul3A_1 = arith.constant 128 : i32
    %mul3A_2 = arith.muli %add3A, %mul3A_1 : i32
    %scan3A = arith.constant 0 : i32
    %scan3A_3 = arith.constant 0 : i32
    %scan3A_4 = arith.constant 16 : i32
    %scan3A_5 = arith.addi %scan3A_3, %scan3A_4 : i32
    %scan3A_6 = arith.constant 1 : i32
    scf.for %scan3A_8 = %scan3A_3 to %scan3A_5 step %scan3A_6  : i32 {
      %mul3A_9 = arith.constant 8 : i32
      %mul3A_10 = arith.muli %scan3A_8, %mul3A_9 : i32
      %add3A_11 = arith.addi %mul3A_2, %mul3A_10 : i32
      "tpu.region"() ({
        %run_scoped3A = tpu.sem_alloc : memref<!tpu.dma_semaphore, #tpu.memory_space<semaphore_mem>>
        %dma_start3A = arith.constant 0 : i32
        %dma_start3A_18 = tpu.memref_slice %arg2[%add3A_11, %dma_start3A] : memref<4096x4096xf32, #tpu.memory_space<hbm>> -> memref<8x4096xf32, #tpu.memory_space<hbm>>
        %dma_start3A_19 = arith.constant 0 : i32
        %dma_start3A_20 = tpu.memref_slice %arg2[%add3A_11, %dma_start3A_19] : memref<4096x4096xf32, #tpu.memory_space<hbm>> -> memref<8x4096xf32, #tpu.memory_space<hbm>>
        tpu.enqueue_dma source(%dma_start3A_20 : memref<8x4096xf32, #tpu.memory_space<hbm>>) target(%arg4 : memref<8x4096xf32, #tpu.memory_space<vmem>>) target_semaphore(%run_scoped3A : memref<!tpu.dma_semaphore, #tpu.memory_space<semaphore_mem>>)
        %dma_wait3A = arith.constant 0 : i32
        %dma_wait3A_21 = tpu.memref_slice %arg2[%add3A_11, %dma_wait3A] : memref<4096x4096xf32, #tpu.memory_space<hbm>> -> memref<8x4096xf32, #tpu.memory_space<hbm>>
        %dma_wait3A_22 = arith.constant 0 : i32
        %dma_wait3A_23 = tpu.memref_slice %arg2[%add3A_11, %dma_wait3A_22] : memref<4096x4096xf32, #tpu.memory_space<hbm>> -> memref<8x4096xf32, #tpu.memory_space<hbm>>
        tpu.wait_dma2 semaphore(%run_scoped3A : memref<!tpu.dma_semaphore, #tpu.memory_space<semaphore_mem>>) src(%dma_wait3A_23 : memref<8x4096xf32, #tpu.memory_space<hbm>>) dst(%arg4 : memref<8x4096xf32, #tpu.memory_space<vmem>>)
        tpu.yield
      }) : () -> ()
      %scan3A_12 = arith.constant 0 : i32
      %scan3A_13 = arith.constant 0 : i32
      %scan3A_14 = arith.constant 8 : i32
      %scan3A_15 = arith.addi %scan3A_13, %scan3A_14 : i32
      %scan3A_16 = arith.constant 1 : i32
      scf.for %scan3A_18 = %scan3A_13 to %scan3A_15 step %scan3A_16  : i32 {
        %broadcast_in_dim3A = arith.constant 0.000000e+00 : f32
        %broadcast_in_dim3A_19 = vector.broadcast %broadcast_in_dim3A : f32 to vector<16xf32>
        %broadcast_in_dim3A_20 = arith.constant 0.000000e+00 : f32
        %broadcast_in_dim3A_21 = vector.broadcast %broadcast_in_dim3A_20 : f32 to vector<16xf32>
        %broadcast_in_dim3A_22 = arith.constant 0.000000e+00 : f32
        %broadcast_in_dim3A_23 = vector.broadcast %broadcast_in_dim3A_22 : f32 to vector<16xf32>
        %broadcast_in_dim3A_24 = arith.constant 0.000000e+00 : f32
        %broadcast_in_dim3A_25 = vector.broadcast %broadcast_in_dim3A_24 : f32 to vector<16xf32>
        %broadcast_in_dim3A_26 = arith.constant 0.000000e+00 : f32
        %broadcast_in_dim3A_27 = vector.broadcast %broadcast_in_dim3A_26 : f32 to vector<16xf32>
        %broadcast_in_dim3A_28 = arith.constant 0.000000e+00 : f32
        %broadcast_in_dim3A_29 = vector.broadcast %broadcast_in_dim3A_28 : f32 to vector<16xf32>
        %broadcast_in_dim3A_30 = arith.constant 0.000000e+00 : f32
        %broadcast_in_dim3A_31 = vector.broadcast %broadcast_in_dim3A_30 : f32 to vector<16xf32>
        %broadcast_in_dim3A_32 = arith.constant 0.000000e+00 : f32
        %broadcast_in_dim3A_33 = vector.broadcast %broadcast_in_dim3A_32 : f32 to vector<16xf32>
        %scan3A_34 = arith.constant 0 : i32
        %scan3A_35 = arith.constant 32 : i32
        %scan3A_36 = arith.addi %scan3A_34, %scan3A_35 : i32
        %scan3A_37 = arith.constant 1 : i32
        %scan3A_38:8 = scf.for %scan3A_81 = %scan3A_34 to %scan3A_36 step %scan3A_37 iter_args(%scan3A_82 = %broadcast_in_dim3A_19, %scan3A_83 = %broadcast_in_dim3A_21, %scan3A_84 = %broadcast_in_dim3A_23, %scan3A_85 = %broadcast_in_dim3A_25, %scan3A_86 = %broadcast_in_dim3A_27, %scan3A_87 = %broadcast_in_dim3A_29, %scan3A_88 = %broadcast_in_dim3A_31, %scan3A_89 = %broadcast_in_dim3A_33) -> (vector<16xf32>, vector<16xf32>, vector<16xf32>, vector<16xf32>, vector<16xf32>, vector<16xf32>, vector<16xf32>, vector<16xf32>)  : i32 {
          %mul3A_90 = arith.constant 128 : i32
          %mul3A_91 = arith.muli %scan3A_81, %mul3A_90 : i32
          %add3A_92 = arith.constant 0 : i32
          %add3A_93 = arith.addi %mul3A_91, %add3A_92 : i32
          %get3A = arith.index_cast %scan3A_18 : i32 to index
          %get3A_94 = arith.index_cast %add3A_93 : i32 to index
          %get3A_95 = tpu.vector_load %arg4[%get3A, %get3A_94] {strides = array<i32>} : memref<8x4096xf32, #tpu.memory_space<vmem>>, vector<1x16xf32>,
          %get3A_96 = vector.shape_cast %get3A_95 : vector<1x16xf32> to vector<16xf32>
          %exp3A = math.exp %get3A_96 : vector<16xf32>
          %swap3A = arith.index_cast %scan3A_18 : i32 to index
          %swap3A_97 = arith.index_cast %add3A_93 : i32 to index
          %swap3A_98 = tpu.vector_load %arg4[%swap3A, %swap3A_97] {strides = array<i32>} : memref<8x4096xf32, #tpu.memory_space<vmem>>, vector<1x16xf32>,
          %swap3A_99 = vector.shape_cast %swap3A_98 : vector<1x16xf32> to vector<16xf32>
          %swap3A_100 = vector.shape_cast %exp3A : vector<16xf32> to vector<1x16xf32>
          tpu.vector_store %arg4[%swap3A, %swap3A_97], %swap3A_100 {strides = array<i32>} : memref<8x4096xf32, #tpu.memory_space<vmem>>, vector<1x16xf32>,
          %add3A_101 = arith.addf %scan3A_82, %exp3A : vector<16xf32>
          %add3A_102 = arith.constant 16 : i32
          %add3A_103 = arith.addi %mul3A_91, %add3A_102 : i32
          %get3A_104 = arith.index_cast %scan3A_18 : i32 to index
          %get3A_105 = arith.index_cast %add3A_103 : i32 to index
          %get3A_106 = tpu.vector_load %arg4[%get3A_104, %get3A_105] {strides = array<i32>} : memref<8x4096xf32, #tpu.memory_space<vmem>>, vector<1x16xf32>,
          %get3A_107 = vector.shape_cast %get3A_106 : vector<1x16xf32> to vector<16xf32>
          %exp3A_108 = math.exp %get3A_107 : vector<16xf32>
          %swap3A_109 = arith.index_cast %scan3A_18 : i32 to index
          %swap3A_110 = arith.index_cast %add3A_103 : i32 to index
          %swap3A_111 = tpu.vector_load %arg4[%swap3A_109, %swap3A_110] {strides = array<i32>} : memref<8x4096xf32, #tpu.memory_space<vmem>>, vector<1x16xf32>,
          %swap3A_112 = vector.shape_cast %swap3A_111 : vector<1x16xf32> to vector<16xf32>
          %swap3A_113 = vector.shape_cast %exp3A_108 : vector<16xf32> to vector<1x16xf32>
          tpu.vector_store %arg4[%swap3A_109, %swap3A_110], %swap3A_113 {strides = array<i32>} : memref<8x4096xf32, #tpu.memory_space<vmem>>, vector<1x16xf32>,
          %add3A_114 = arith.addf %scan3A_83, %exp3A_108 : vector<16xf32>
          %add3A_115 = arith.constant 32 : i32
          %add3A_116 = arith.addi %mul3A_91, %add3A_115 : i32
          %get3A_117 = arith.index_cast %scan3A_18 : i32 to index
          %get3A_118 = arith.index_cast %add3A_116 : i32 to index
          %get3A_119 = tpu.vector_load %arg4[%get3A_117, %get3A_118] {strides = array<i32>} : memref<8x4096xf32, #tpu.memory_space<vmem>>, vector<1x16xf32>,
          %get3A_120 = vector.shape_cast %get3A_119 : vector<1x16xf32> to vector<16xf32>
          %exp3A_121 = math.exp %get3A_120 : vector<16xf32>
          %swap3A_122 = arith.index_cast %scan3A_18 : i32 to index
          %swap3A_123 = arith.index_cast %add3A_116 : i32 to index
          %swap3A_124 = tpu.vector_load %arg4[%swap3A_122, %swap3A_123] {strides = array<i32>} : memref<8x4096xf32, #tpu.memory_space<vmem>>, vector<1x16xf32>,
          %swap3A_125 = vector.shape_cast %swap3A_124 : vector<1x16xf32> to vector<16xf32>
          %swap3A_126 = vector.shape_cast %exp3A_121 : vector<16xf32> to vector<1x16xf32>
          tpu.vector_store %arg4[%swap3A_122, %swap3A_123], %swap3A_126 {strides = array<i32>} : memref<8x4096xf32, #tpu.memory_space<vmem>>, vector<1x16xf32>,
          %add3A_127 = arith.addf %scan3A_84, %exp3A_121 : vector<16xf32>
          %add3A_128 = arith.constant 48 : i32
          %add3A_129 = arith.addi %mul3A_91, %add3A_128 : i32
          %get3A_130 = arith.index_cast %scan3A_18 : i32 to index
          %get3A_131 = arith.index_cast %add3A_129 : i32 to index
          %get3A_132 = tpu.vector_load %arg4[%get3A_130, %get3A_131] {strides = array<i32>} : memref<8x4096xf32, #tpu.memory_space<vmem>>, vector<1x16xf32>,
          %get3A_133 = vector.shape_cast %get3A_132 : vector<1x16xf32> to vector<16xf32>
          %exp3A_134 = math.exp %get3A_133 : vector<16xf32>
          %swap3A_135 = arith.index_cast %scan3A_18 : i32 to index
          %swap3A_136 = arith.index_cast %add3A_129 : i32 to index
          %swap3A_137 = tpu.vector_load %arg4[%swap3A_135, %swap3A_136] {strides = array<i32>} : memref<8x4096xf32, #tpu.memory_space<vmem>>, vector<1x16xf32>,
          %swap3A_138 = vector.shape_cast %swap3A_137 : vector<1x16xf32> to vector<16xf32>
          %swap3A_139 = vector.shape_cast %exp3A_134 : vector<16xf32> to vector<1x16xf32>
          tpu.vector_store %arg4[%swap3A_135, %swap3A_136], %swap3A_139 {strides = array<i32>} : memref<8x4096xf32, #tpu.memory_space<vmem>>, vector<1x16xf32>,
          %add3A_140 = arith.addf %scan3A_85, %exp3A_134 : vector<16xf32>
          %add3A_141 = arith.constant 64 : i32
          %add3A_142 = arith.addi %mul3A_91, %add3A_141 : i32
          %get3A_143 = arith.index_cast %scan3A_18 : i32 to index
          %get3A_144 = arith.index_cast %add3A_142 : i32 to index
          %get3A_145 = tpu.vector_load %arg4[%get3A_143, %get3A_144] {strides = array<i32>} : memref<8x4096xf32, #tpu.memory_space<vmem>>, vector<1x16xf32>,
          %get3A_146 = vector.shape_cast %get3A_145 : vector<1x16xf32> to vector<16xf32>
          %exp3A_147 = math.exp %get3A_146 : vector<16xf32>
          %swap3A_148 = arith.index_cast %scan3A_18 : i32 to index
          %swap3A_149 = arith.index_cast %add3A_142 : i32 to index
          %swap3A_150 = tpu.vector_load %arg4[%swap3A_148, %swap3A_149] {strides = array<i32>} : memref<8x4096xf32, #tpu.memory_space<vmem>>, vector<1x16xf32>,
          %swap3A_151 = vector.shape_cast %swap3A_150 : vector<1x16xf32> to vector<16xf32>
          %swap3A_152 = vector.shape_cast %exp3A_147 : vector<16xf32> to vector<1x16xf32>
          tpu.vector_store %arg4[%swap3A_148, %swap3A_149], %swap3A_152 {strides = array<i32>} : memref<8x4096xf32, #tpu.memory_space<vmem>>, vector<1x16xf32>,
          %add3A_153 = arith.addf %scan3A_86, %exp3A_147 : vector<16xf32>
          %add3A_154 = arith.constant 80 : i32
          %add3A_155 = arith.addi %mul3A_91, %add3A_154 : i32
          %get3A_156 = arith.index_cast %scan3A_18 : i32 to index
          %get3A_157 = arith.index_cast %add3A_155 : i32 to index
          %get3A_158 = tpu.vector_load %arg4[%get3A_156, %get3A_157] {strides = array<i32>} : memref<8x4096xf32, #tpu.memory_space<vmem>>, vector<1x16xf32>,
          %get3A_159 = vector.shape_cast %get3A_158 : vector<1x16xf32> to vector<16xf32>
          %exp3A_160 = math.exp %get3A_159 : vector<16xf32>
          %swap3A_161 = arith.index_cast %scan3A_18 : i32 to index
          %swap3A_162 = arith.index_cast %add3A_155 : i32 to index
          %swap3A_163 = tpu.vector_load %arg4[%swap3A_161, %swap3A_162] {strides = array<i32>} : memref<8x4096xf32, #tpu.memory_space<vmem>>, vector<1x16xf32>,
          %swap3A_164 = vector.shape_cast %swap3A_163 : vector<1x16xf32> to vector<16xf32>
          %swap3A_165 = vector.shape_cast %exp3A_160 : vector<16xf32> to vector<1x16xf32>
          tpu.vector_store %arg4[%swap3A_161, %swap3A_162], %swap3A_165 {strides = array<i32>} : memref<8x4096xf32, #tpu.memory_space<vmem>>, vector<1x16xf32>,
          %add3A_166 = arith.addf %scan3A_87, %exp3A_160 : vector<16xf32>
          %add3A_167 = arith.constant 96 : i32
          %add3A_168 = arith.addi %mul3A_91, %add3A_167 : i32
          %get3A_169 = arith.index_cast %scan3A_18 : i32 to index
          %get3A_170 = arith.index_cast %add3A_168 : i32 to index
          %get3A_171 = tpu.vector_load %arg4[%get3A_169, %get3A_170] {strides = array<i32>} : memref<8x4096xf32, #tpu.memory_space<vmem>>, vector<1x16xf32>,
          %get3A_172 = vector.shape_cast %get3A_171 : vector<1x16xf32> to vector<16xf32>
          %exp3A_173 = math.exp %get3A_172 : vector<16xf32>
          %swap3A_174 = arith.index_cast %scan3A_18 : i32 to index
          %swap3A_175 = arith.index_cast %add3A_168 : i32 to index
          %swap3A_176 = tpu.vector_load %arg4[%swap3A_174, %swap3A_175] {strides = array<i32>} : memref<8x4096xf32, #tpu.memory_space<vmem>>, vector<1x16xf32>,
          %swap3A_177 = vector.shape_cast %swap3A_176 : vector<1x16xf32> to vector<16xf32>
          %swap3A_178 = vector.shape_cast %exp3A_173 : vector<16xf32> to vector<1x16xf32>
          tpu.vector_store %arg4[%swap3A_174, %swap3A_175], %swap3A_178 {strides = array<i32>} : memref<8x4096xf32, #tpu.memory_space<vmem>>, vector<1x16xf32>,
          %add3A_179 = arith.addf %scan3A_88, %exp3A_173 : vector<16xf32>
          %add3A_180 = arith.constant 112 : i32
          %add3A_181 = arith.addi %mul3A_91, %add3A_180 : i32
          %get3A_182 = arith.index_cast %scan3A_18 : i32 to index
          %get3A_183 = arith.index_cast %add3A_181 : i32 to index
          %get3A_184 = tpu.vector_load %arg4[%get3A_182, %get3A_183] {strides = array<i32>} : memref<8x4096xf32, #tpu.memory_space<vmem>>, vector<1x16xf32>,
          %get3A_185 = vector.shape_cast %get3A_184 : vector<1x16xf32> to vector<16xf32>
          %exp3A_186 = math.exp %get3A_185 : vector<16xf32>
          %swap3A_187 = arith.index_cast %scan3A_18 : i32 to index
          %swap3A_188 = arith.index_cast %add3A_181 : i32 to index
          %swap3A_189 = tpu.vector_load %arg4[%swap3A_187, %swap3A_188] {strides = array<i32>} : memref<8x4096xf32, #tpu.memory_space<vmem>>, vector<1x16xf32>,
          %swap3A_190 = vector.shape_cast %swap3A_189 : vector<1x16xf32> to vector<16xf32>
          %swap3A_191 = vector.shape_cast %exp3A_186 : vector<16xf32> to vector<1x16xf32>
          tpu.vector_store %arg4[%swap3A_187, %swap3A_188], %swap3A_191 {strides = array<i32>} : memref<8x4096xf32, #tpu.memory_space<vmem>>, vector<1x16xf32>,
          %add3A_192 = arith.addf %scan3A_89, %exp3A_186 : vector<16xf32>
          scf.yield %add3A_101, %add3A_114, %add3A_127, %add3A_140, %add3A_153, %add3A_166, %add3A_179, %add3A_192 : vector<16xf32>, vector<16xf32>, vector<16xf32>, vector<16xf32>, vector<16xf32>, vector<16xf32>, vector<16xf32>, vector<16xf32>
        }
        %scan3A_39 = arith.constant 32 : i32
        %add3A_40 = arith.addf %scan3A_38#0, %scan3A_38#1 : vector<16xf32>
        %add3A_41 = arith.addf %scan3A_38#2, %scan3A_38#3 : vector<16xf32>
        %add3A_42 = arith.addf %add3A_40, %add3A_41 : vector<16xf32>
        %add3A_43 = arith.addf %scan3A_38#4, %scan3A_38#5 : vector<16xf32>
        %add3A_44 = arith.addf %scan3A_38#6, %scan3A_38#7 : vector<16xf32>
        %add3A_45 = arith.addf %add3A_43, %add3A_44 : vector<16xf32>
        %add3A_46 = arith.addf %add3A_42, %add3A_45 : vector<16xf32>
        %iota3A = tpu.iota {dimensions = array<i32: 0>} : vector<16xi32>
        %xor3A = arith.constant 8 : i32
        %xor3A_47 = vector.broadcast %xor3A : i32 to vector<16xi32>
        %xor3A_48 = arith.xori %iota3A, %xor3A_47 : vector<16xi32>
        %broadcast_in_dim3A_49 = vector.shape_cast %xor3A_48 : vector<16xi32> to vector<16x1xi32>
        %gather3A = vector.shape_cast %broadcast_in_dim3A_49 : vector<16x1xi32> to vector<16xi32>
        %gather3A_50 = tpu.dynamic_gather %add3A_46[%gather3A] in [0] : vector<16xf32>, vector<16xi32> -> vector<16xf32>
        %add3A_51 = arith.addf %add3A_46, %gather3A_50 : vector<16xf32>
        %xor3A_52 = arith.constant 4 : i32
        %xor3A_53 = vector.broadcast %xor3A_52 : i32 to vector<16xi32>
        %xor3A_54 = arith.xori %iota3A, %xor3A_53 : vector<16xi32>
        %broadcast_in_dim3A_55 = vector.shape_cast %xor3A_54 : vector<16xi32> to vector<16x1xi32>
        %gather3A_56 = vector.shape_cast %broadcast_in_dim3A_55 : vector<16x1xi32> to vector<16xi32>
        %gather3A_57 = tpu.dynamic_gather %add3A_51[%gather3A_56] in [0] : vector<16xf32>, vector<16xi32> -> vector<16xf32>
        %add3A_58 = arith.addf %add3A_51, %gather3A_57 : vector<16xf32>
        %xor3A_59 = arith.constant 2 : i32
        %xor3A_60 = vector.broadcast %xor3A_59 : i32 to vector<16xi32>
        %xor3A_61 = arith.xori %iota3A, %xor3A_60 : vector<16xi32>
        %broadcast_in_dim3A_62 = vector.shape_cast %xor3A_61 : vector<16xi32> to vector<16x1xi32>
        %gather3A_63 = vector.shape_cast %broadcast_in_dim3A_62 : vector<16x1xi32> to vector<16xi32>
        %gather3A_64 = tpu.dynamic_gather %add3A_58[%gather3A_63] in [0] : vector<16xf32>, vector<16xi32> -> vector<16xf32>
        %add3A_65 = arith.addf %add3A_58, %gather3A_64 : vector<16xf32>
        %xor3A_66 = arith.constant 1 : i32
        %xor3A_67 = vector.broadcast %xor3A_66 : i32 to vector<16xi32>
        %xor3A_68 = arith.xori %iota3A, %xor3A_67 : vector<16xi32>
        %broadcast_in_dim3A_69 = vector.shape_cast %xor3A_68 : vector<16xi32> to vector<16x1xi32>
        %gather3A_70 = vector.shape_cast %broadcast_in_dim3A_69 : vector<16x1xi32> to vector<16xi32>
        %gather3A_71 = tpu.dynamic_gather %add3A_65[%gather3A_70] in [0] : vector<16xf32>, vector<16xi32> -> vector<16xf32>
        %add3A_72 = arith.addf %add3A_65, %gather3A_71 : vector<16xf32>
        %div3A = arith.constant 1.000000e+00 : f32
        %div3A_73 = vector.broadcast %div3A : f32 to vector<16xf32>
        %div3A_74 = arith.divf %div3A_73, %add3A_72 : vector<16xf32>
        %scan3A_75 = arith.constant 0 : i32
        %scan3A_76 = arith.constant 0 : i32
        %scan3A_77 = arith.constant 32 : i32
        %scan3A_78 = arith.addi %scan3A_76, %scan3A_77 : i32
        %scan3A_79 = arith.constant 1 : i32
        scf.for %scan3A_81 = %scan3A_76 to %scan3A_78 step %scan3A_79  : i32 {
          %mul3A_82 = arith.constant 128 : i32
          %mul3A_83 = arith.muli %scan3A_81, %mul3A_82 : i32
          %add3A_84 = arith.constant 0 : i32
          %add3A_85 = arith.addi %mul3A_83, %add3A_84 : i32
          %get3A = arith.index_cast %scan3A_18 : i32 to index
          %get3A_86 = arith.index_cast %add3A_85 : i32 to index
          %get3A_87 = tpu.vector_load %arg4[%get3A, %get3A_86] {strides = array<i32>} : memref<8x4096xf32, #tpu.memory_space<vmem>>, vector<1x16xf32>,
          %get3A_88 = vector.shape_cast %get3A_87 : vector<1x16xf32> to vector<16xf32>
          %mul3A_89 = arith.mulf %get3A_88, %div3A_74 : vector<16xf32>
          %swap3A = arith.index_cast %scan3A_18 : i32 to index
          %swap3A_90 = arith.index_cast %add3A_85 : i32 to index
          %swap3A_91 = tpu.vector_load %arg4[%swap3A, %swap3A_90] {strides = array<i32>} : memref<8x4096xf32, #tpu.memory_space<vmem>>, vector<1x16xf32>,
          %swap3A_92 = vector.shape_cast %swap3A_91 : vector<1x16xf32> to vector<16xf32>
          %swap3A_93 = vector.shape_cast %mul3A_89 : vector<16xf32> to vector<1x16xf32>
          tpu.vector_store %arg4[%swap3A, %swap3A_90], %swap3A_93 {strides = array<i32>} : memref<8x4096xf32, #tpu.memory_space<vmem>>, vector<1x16xf32>,
          %add3A_94 = arith.constant 16 : i32
          %add3A_95 = arith.addi %mul3A_83, %add3A_94 : i32
          %get3A_96 = arith.index_cast %scan3A_18 : i32 to index
          %get3A_97 = arith.index_cast %add3A_95 : i32 to index
          %get3A_98 = tpu.vector_load %arg4[%get3A_96, %get3A_97] {strides = array<i32>} : memref<8x4096xf32, #tpu.memory_space<vmem>>, vector<1x16xf32>,
          %get3A_99 = vector.shape_cast %get3A_98 : vector<1x16xf32> to vector<16xf32>
          %mul3A_100 = arith.mulf %get3A_99, %div3A_74 : vector<16xf32>
          %swap3A_101 = arith.index_cast %scan3A_18 : i32 to index
          %swap3A_102 = arith.index_cast %add3A_95 : i32 to index
          %swap3A_103 = tpu.vector_load %arg4[%swap3A_101, %swap3A_102] {strides = array<i32>} : memref<8x4096xf32, #tpu.memory_space<vmem>>, vector<1x16xf32>,
          %swap3A_104 = vector.shape_cast %swap3A_103 : vector<1x16xf32> to vector<16xf32>
          %swap3A_105 = vector.shape_cast %mul3A_100 : vector<16xf32> to vector<1x16xf32>
          tpu.vector_store %arg4[%swap3A_101, %swap3A_102], %swap3A_105 {strides = array<i32>} : memref<8x4096xf32, #tpu.memory_space<vmem>>, vector<1x16xf32>,
          %add3A_106 = arith.constant 32 : i32
          %add3A_107 = arith.addi %mul3A_83, %add3A_106 : i32
          %get3A_108 = arith.index_cast %scan3A_18 : i32 to index
          %get3A_109 = arith.index_cast %add3A_107 : i32 to index
          %get3A_110 = tpu.vector_load %arg4[%get3A_108, %get3A_109] {strides = array<i32>} : memref<8x4096xf32, #tpu.memory_space<vmem>>, vector<1x16xf32>,
          %get3A_111 = vector.shape_cast %get3A_110 : vector<1x16xf32> to vector<16xf32>
          %mul3A_112 = arith.mulf %get3A_111, %div3A_74 : vector<16xf32>
          %swap3A_113 = arith.index_cast %scan3A_18 : i32 to index
          %swap3A_114 = arith.index_cast %add3A_107 : i32 to index
          %swap3A_115 = tpu.vector_load %arg4[%swap3A_113, %swap3A_114] {strides = array<i32>} : memref<8x4096xf32, #tpu.memory_space<vmem>>, vector<1x16xf32>,
          %swap3A_116 = vector.shape_cast %swap3A_115 : vector<1x16xf32> to vector<16xf32>
          %swap3A_117 = vector.shape_cast %mul3A_112 : vector<16xf32> to vector<1x16xf32>
          tpu.vector_store %arg4[%swap3A_113, %swap3A_114], %swap3A_117 {strides = array<i32>} : memref<8x4096xf32, #tpu.memory_space<vmem>>, vector<1x16xf32>,
          %add3A_118 = arith.constant 48 : i32
          %add3A_119 = arith.addi %mul3A_83, %add3A_118 : i32
          %get3A_120 = arith.index_cast %scan3A_18 : i32 to index
          %get3A_121 = arith.index_cast %add3A_119 : i32 to index
          %get3A_122 = tpu.vector_load %arg4[%get3A_120, %get3A_121] {strides = array<i32>} : memref<8x4096xf32, #tpu.memory_space<vmem>>, vector<1x16xf32>,
          %get3A_123 = vector.shape_cast %get3A_122 : vector<1x16xf32> to vector<16xf32>
          %mul3A_124 = arith.mulf %get3A_123, %div3A_74 : vector<16xf32>
          %swap3A_125 = arith.index_cast %scan3A_18 : i32 to index
          %swap3A_126 = arith.index_cast %add3A_119 : i32 to index
          %swap3A_127 = tpu.vector_load %arg4[%swap3A_125, %swap3A_126] {strides = array<i32>} : memref<8x4096xf32, #tpu.memory_space<vmem>>, vector<1x16xf32>,
          %swap3A_128 = vector.shape_cast %swap3A_127 : vector<1x16xf32> to vector<16xf32>
          %swap3A_129 = vector.shape_cast %mul3A_124 : vector<16xf32> to vector<1x16xf32>
          tpu.vector_store %arg4[%swap3A_125, %swap3A_126], %swap3A_129 {strides = array<i32>} : memref<8x4096xf32, #tpu.memory_space<vmem>>, vector<1x16xf32>,
          %add3A_130 = arith.constant 64 : i32
          %add3A_131 = arith.addi %mul3A_83, %add3A_130 : i32
          %get3A_132 = arith.index_cast %scan3A_18 : i32 to index
          %get3A_133 = arith.index_cast %add3A_131 : i32 to index
          %get3A_134 = tpu.vector_load %arg4[%get3A_132, %get3A_133] {strides = array<i32>} : memref<8x4096xf32, #tpu.memory_space<vmem>>, vector<1x16xf32>,
          %get3A_135 = vector.shape_cast %get3A_134 : vector<1x16xf32> to vector<16xf32>
          %mul3A_136 = arith.mulf %get3A_135, %div3A_74 : vector<16xf32>
          %swap3A_137 = arith.index_cast %scan3A_18 : i32 to index
          %swap3A_138 = arith.index_cast %add3A_131 : i32 to index
          %swap3A_139 = tpu.vector_load %arg4[%swap3A_137, %swap3A_138] {strides = array<i32>} : memref<8x4096xf32, #tpu.memory_space<vmem>>, vector<1x16xf32>,
          %swap3A_140 = vector.shape_cast %swap3A_139 : vector<1x16xf32> to vector<16xf32>
          %swap3A_141 = vector.shape_cast %mul3A_136 : vector<16xf32> to vector<1x16xf32>
          tpu.vector_store %arg4[%swap3A_137, %swap3A_138], %swap3A_141 {strides = array<i32>} : memref<8x4096xf32, #tpu.memory_space<vmem>>, vector<1x16xf32>,
          %add3A_142 = arith.constant 80 : i32
          %add3A_143 = arith.addi %mul3A_83, %add3A_142 : i32
          %get3A_144 = arith.index_cast %scan3A_18 : i32 to index
          %get3A_145 = arith.index_cast %add3A_143 : i32 to index
          %get3A_146 = tpu.vector_load %arg4[%get3A_144, %get3A_145] {strides = array<i32>} : memref<8x4096xf32, #tpu.memory_space<vmem>>, vector<1x16xf32>,
          %get3A_147 = vector.shape_cast %get3A_146 : vector<1x16xf32> to vector<16xf32>
          %mul3A_148 = arith.mulf %get3A_147, %div3A_74 : vector<16xf32>
          %swap3A_149 = arith.index_cast %scan3A_18 : i32 to index
          %swap3A_150 = arith.index_cast %add3A_143 : i32 to index
          %swap3A_151 = tpu.vector_load %arg4[%swap3A_149, %swap3A_150] {strides = array<i32>} : memref<8x4096xf32, #tpu.memory_space<vmem>>, vector<1x16xf32>,
          %swap3A_152 = vector.shape_cast %swap3A_151 : vector<1x16xf32> to vector<16xf32>
          %swap3A_153 = vector.shape_cast %mul3A_148 : vector<16xf32> to vector<1x16xf32>
          tpu.vector_store %arg4[%swap3A_149, %swap3A_150], %swap3A_153 {strides = array<i32>} : memref<8x4096xf32, #tpu.memory_space<vmem>>, vector<1x16xf32>,
          %add3A_154 = arith.constant 96 : i32
          %add3A_155 = arith.addi %mul3A_83, %add3A_154 : i32
          %get3A_156 = arith.index_cast %scan3A_18 : i32 to index
          %get3A_157 = arith.index_cast %add3A_155 : i32 to index
          %get3A_158 = tpu.vector_load %arg4[%get3A_156, %get3A_157] {strides = array<i32>} : memref<8x4096xf32, #tpu.memory_space<vmem>>, vector<1x16xf32>,
          %get3A_159 = vector.shape_cast %get3A_158 : vector<1x16xf32> to vector<16xf32>
          %mul3A_160 = arith.mulf %get3A_159, %div3A_74 : vector<16xf32>
          %swap3A_161 = arith.index_cast %scan3A_18 : i32 to index
          %swap3A_162 = arith.index_cast %add3A_155 : i32 to index
          %swap3A_163 = tpu.vector_load %arg4[%swap3A_161, %swap3A_162] {strides = array<i32>} : memref<8x4096xf32, #tpu.memory_space<vmem>>, vector<1x16xf32>,
          %swap3A_164 = vector.shape_cast %swap3A_163 : vector<1x16xf32> to vector<16xf32>
          %swap3A_165 = vector.shape_cast %mul3A_160 : vector<16xf32> to vector<1x16xf32>
          tpu.vector_store %arg4[%swap3A_161, %swap3A_162], %swap3A_165 {strides = array<i32>} : memref<8x4096xf32, #tpu.memory_space<vmem>>, vector<1x16xf32>,
          %add3A_166 = arith.constant 112 : i32
          %add3A_167 = arith.addi %mul3A_83, %add3A_166 : i32
          %get3A_168 = arith.index_cast %scan3A_18 : i32 to index
          %get3A_169 = arith.index_cast %add3A_167 : i32 to index
          %get3A_170 = tpu.vector_load %arg4[%get3A_168, %get3A_169] {strides = array<i32>} : memref<8x4096xf32, #tpu.memory_space<vmem>>, vector<1x16xf32>,
          %get3A_171 = vector.shape_cast %get3A_170 : vector<1x16xf32> to vector<16xf32>
          %mul3A_172 = arith.mulf %get3A_171, %div3A_74 : vector<16xf32>
          %swap3A_173 = arith.index_cast %scan3A_18 : i32 to index
          %swap3A_174 = arith.index_cast %add3A_167 : i32 to index
          %swap3A_175 = tpu.vector_load %arg4[%swap3A_173, %swap3A_174] {strides = array<i32>} : memref<8x4096xf32, #tpu.memory_space<vmem>>, vector<1x16xf32>,
          %swap3A_176 = vector.shape_cast %swap3A_175 : vector<1x16xf32> to vector<16xf32>
          %swap3A_177 = vector.shape_cast %mul3A_172 : vector<16xf32> to vector<1x16xf32>
          tpu.vector_store %arg4[%swap3A_173, %swap3A_174], %swap3A_177 {strides = array<i32>} : memref<8x4096xf32, #tpu.memory_space<vmem>>, vector<1x16xf32>,
        }
        %scan3A_80 = arith.constant 32 : i32
      }
      %scan3A_17 = arith.constant 8 : i32
      "tpu.region"() ({
        %run_scoped3A = tpu.sem_alloc : memref<!tpu.dma_semaphore, #tpu.memory_space<semaphore_mem>>
        %dma_start3A = arith.constant 0 : i32
        %dma_start3A_18 = tpu.memref_slice %arg3[%add3A_11, %dma_start3A] : memref<4096x4096xf32, #tpu.memory_space<hbm>> -> memref<8x4096xf32, #tpu.memory_space<hbm>>
        %dma_start3A_19 = arith.constant 0 : i32
        %dma_start3A_20 = tpu.memref_slice %arg3[%add3A_11, %dma_start3A_19] : memref<4096x4096xf32, #tpu.memory_space<hbm>> -> memref<8x4096xf32, #tpu.memory_space<hbm>>
        tpu.enqueue_dma source(%arg4 : memref<8x4096xf32, #tpu.memory_space<vmem>>) target(%dma_start3A_20 : memref<8x4096xf32, #tpu.memory_space<hbm>>) target_semaphore(%run_scoped3A : memref<!tpu.dma_semaphore, #tpu.memory_space<semaphore_mem>>)
        %dma_wait3A = arith.constant 0 : i32
        %dma_wait3A_21 = tpu.memref_slice %arg3[%add3A_11, %dma_wait3A] : memref<4096x4096xf32, #tpu.memory_space<hbm>> -> memref<8x4096xf32, #tpu.memory_space<hbm>>
        %dma_wait3A_22 = arith.constant 0 : i32
        %dma_wait3A_23 = tpu.memref_slice %arg3[%add3A_11, %dma_wait3A_22] : memref<4096x4096xf32, #tpu.memory_space<hbm>> -> memref<8x4096xf32, #tpu.memory_space<hbm>>
        tpu.wait_dma2 semaphore(%run_scoped3A : memref<!tpu.dma_semaphore, #tpu.memory_space<semaphore_mem>>) src(%arg4 : memref<8x4096xf32, #tpu.memory_space<vmem>>) dst(%dma_wait3A_23 : memref<8x4096xf32, #tpu.memory_space<hbm>>)
        tpu.yield
      }) : () -> ()
    }
    %scan3A_7 = arith.constant 16 : i32
    return
  }
}

</mosaic_0001>

<sc_bundles>
// kernel: kernel.3.cloned.1.call-start
scs
__scs_entry_jumppad:
0x0: {  	(pc) =	sbr.rel $0x88, $3  }
0x1: {  	(tag) =	ssettag $0x0;
	lr =	simm.s32 $0x1  }
0x2: {  	[smem:$0x3FA0] =	sst lr;
	_ =	strace $0xD0000000  }
0x3: {  	_ = 	snop  }
0x4: {  	_ = 	snop  }
0x5: {  	_ = 	snop  }
0x6: {  	_ = 	snop  }
0x7: {  	_ = 	snop  }
__scs_overlays_trampoline_lowered:
0x8: {  	[smem:$0x3FAF] =	sst s0  }
0x9: {  	[smem:$0x3FB0] =	sst s1  }
0xa: {  	[smem:$0x3FB1] =	sst s2  }
0xb: {  	[smem:$0x3FB2] =	sst s3  }
0xc: {  	[smem:$0x3FB3] =	sst s4  }
0xd: {  	[smem:$0x3FB4] =	sst s5  }
0xe: {  	[smem:$0x3FB5] =	sst s6  }
0xf: {  	[smem:$0x3FB6] =	sst s7  }
0x10: {  	[smem:$0x3FB7] =	sst s8  }
0x11: {  	[smem:$0x3FB8] =	sst s9;
	s0 =	simm.s32 @!p0 $0x0  }
0x12: {  	s1 =	sld [smem:$0x3F9E];
	s0 =	simm.s32 @p0 $0x1  }
0x13: {  	[smem:$0x3FB9] =	sst s0;
	s0 =	simm.s32 @!p1 $0x0  }
0x14: {  	s2 =	sld [smem:$0x3F9D];
	s0 =	simm.s32 @p1 $0x1  }
0x15: {  	[smem:$0x3FBA] =	sst s0;
	s0 =	simm.s32 @!p2 $0x0  }
0x16: {  	s3 =	sld [smem:$0x3FDB];
	s0 =	simm.s32 @p2 $0x1  }
0x17: {  	s4 =	simm.s32 $0x1BF5;
	[smem:$0x3FBC] =	sst s0  }
0x18: {  	s0 =	sld [smem:$0x3F9F];
	_ =	swait.ge [sflag:s4], $0x0  }
0x19: {  	s7 =	sld [smem:$0x3FA0]  }
0x1a: {  	s8 =	sadd.s32 $0xFFFFE003, lr  }
0x1b: {  	s9 =	sadd.s32 $0xFFFFFEF7, lr;
	s5 =	simm.s32 $0xFFFFFFFF;
	p2 =	slt.u32 s8, $0xFFFFF086  }
0x1c: {  	p1 =	slt.u32 s9, $0xF7A;
	s5 =	simm.s32 @!p2 $0x0  }
0x1d: {  	s5 =	simm.s32 @p1 $0x1;
	p0 =	seq.s32 s7, s2  }
0x1e: {  	s7 =	smul.u32 @!p0 $0xF7A, s2;
	p2 =	seq.s32 @!p0 s5, $0x0  }
0x1f: {  	s9 =	smul.u32 $0xF7A, s1;
	s8 =	simm.s32 @!p0 $0x1BF5;
	p2 =	por !p2, p0  }
0x20: {  	[sflag:s8] =	ssyncset.s32 @!p0 $0xFFFFF086;
	s6 =	sadd.s32 @!p0 s3, s7;
	s7 =	simm.s32 @!p0 $0x108  }
0x21: {  	s3 =	sadd.s32 s3, s9;
	s6 =	sadd.s32 @!p0 $0x88, s6;
	s7 =	simm.s32 @p2 $0x1082  }
0x22: {  	[simem:s7], [sflag:s8] =	dma.local @!p0 [hbm:s6], $0xF7A  }
0x23: {  	s9 =	sor.u32 $0xD0000000, s2;
	s6 =	simm.s32 $0x108;
	_ =	swait.ge @!p0 [sflag:s8], $0x0  }
0x24: {  	s3 =	sadd.s32 $0x88, s3;
	s6 =	simm.s32 @!p1 $0x1082;
	[sflag:s4] =	ssyncset.s32 $0xFFFFF086  }
0x25: {  	[simem:s6], [sflag:s4] =	dma.local [hbm:s3], $0xF7A  }
0x26: {  	[smem:$0x3FA0] =	sst s1;
	(tag) =	ssettag s2;
	_ =	strace s9  }
0x27: {  	s1 =	sld [smem:$0x3FB0]  }
0x28: {  	s2 =	sld [smem:$0x3FB1]  }
0x29: {  	s4 =	sld [smem:$0x3FB3]  }
0x2a: {  	p0 =	seq.s32 s5, $0x0;
	s5 =	sld [smem:$0x3FB4]  }
0x2b: {  	s6 =	sld [smem:$0x3FB5]  }
0x2c: {  	s7 =	sld [smem:$0x3FB6]  }
0x2d: {  	s3 =	simm.s32 $0x108;
	s8 =	sld [smem:$0x3FB7]  }
0x2e: {  	s3 =	simm.s32 @!p0 $0x1082;
	s9 =	sld [smem:$0x3FB8]  }
0x2f: {  	lr =	sadd.s32 s0, s3;
	s0 =	sld [smem:$0x3FAF]  }
0x30: {  	s3 =	sld [smem:$0x3FB2]  }
0x31: {  	[smem:$0x3FBB] =	sst s10  }
0x32: {  	s10 =	sld [smem:$0x3FB9];
	_ =	sdelay $0x3  }
0x33: {  	p0 =	seq.s32 s10, $0x1;
	s10 =	sld [smem:$0x3FBB];
	_ =	sdelay $0x3  }
0x34: {  	[smem:$0x3FBB] =	sst s10  }
0x35: {  	s10 =	sld [smem:$0x3FBA];
	_ =	sdelay $0x3  }
0x36: {  	p1 =	seq.s32 s10, $0x1;
	s10 =	sld [smem:$0x3FBB];
	_ =	sdelay $0x3  }
0x37: {  	[smem:$0x3FBB] =	sst s10  }
0x38: {  	s10 =	sld [smem:$0x3FBC]  }
0x39: {  	_ = 	snop;
	(pc) =	sbr.ind lr, $3  }
0x3a: {  	_ = 	snop  }
0x3b: {  	_ = 	snop  }
0x3c: {  	p2 =	seq.s32 s10, $0x1;
	s10 =	sld [smem:$0x3FBB]  }
0x3d: {  	_ =	shalt  }
0x3e: {  	_ =	shalt  }
0x3f: {  	_ =	shalt  }
0x40: {  	_ =	shalt  }
0x41: {  	_ =	shalt  }
0x42: {  	_ =	shalt  }
0x43: {  	_ =	shalt  }
0x44: {  	_ =	shalt  }
0x45: {  	_ =	shalt  }
0x46: {  	_ =	shalt  }
0x47: {  	_ =	shalt  }
0x48: {  	_ =	shalt  }
0x49: {  	_ =	shalt  }
0x4a: {  	_ =	shalt  }
0x4b: {  	_ =	shalt  }
0x4c: {  	_ =	shalt  }
0x4d: {  	_ =	shalt  }
0x4e: {  	_ =	shalt  }
0x4f: {  	_ =	shalt  }
0x50: {  	_ =	shalt  }
0x51: {  	_ =	shalt  }
0x52: {  	_ =	shalt  }
0x53: {  	_ =	shalt  }
0x54: {  	_ =	shalt  }
0x55: {  	_ =	shalt  }
0x56: {  	_ =	shalt  }
0x57: {  	_ =	shalt  }
0x58: {  	_ =	shalt  }
0x59: {  	_ =	shalt  }
0x5a: {  	_ =	shalt  }
0x5b: {  	_ =	shalt  }
0x5c: {  	_ =	shalt  }
0x5d: {  	_ =	shalt  }
0x5e: {  	_ =	shalt  }
0x5f: {  	_ =	shalt  }
0x60: {  	_ =	shalt  }
0x61: {  	_ =	shalt  }
0x62: {  	_ =	shalt  }
0x63: {  	_ =	shalt  }
0x64: {  	_ =	shalt  }
0x65: {  	_ =	shalt  }
0x66: {  	_ =	shalt  }
0x67: {  	_ =	shalt  }
0x68: {  	_ =	shalt  }
0x69: {  	_ =	shalt  }
0x6a: {  	_ =	shalt  }
0x6b: {  	_ =	shalt  }
0x6c: {  	_ =	shalt  }
0x6d: {  	_ =	shalt  }
0x6e: {  	_ =	shalt  }
0x6f: {  	_ =	shalt  }
0x70: {  	_ =	shalt  }
0x71: {  	_ =	shalt  }
0x72: {  	_ =	shalt  }
0x73: {  	_ =	shalt  }
0x74: {  	_ =	shalt  }
0x75: {  	_ =	shalt  }
0x76: {  	_ =	shalt  }
0x77: {  	_ =	shalt  }
0x78: {  	_ =	shalt  }
0x79: {  	_ =	shalt  }
0x7a: {  	_ =	shalt  }
0x7b: {  	_ =	shalt  }
0x7c: {  	_ =	shalt  }
0x7d: {  	_ =	shalt  }
0x7e: {  	_ =	shalt  }
0x7f: {  	_ =	shalt  }
0x80: {  	_ =	shalt  }
0x81: {  	_ =	shalt  }
0x82: {  	_ =	shalt  }
0x83: {  	_ =	shalt  }
0x84: {  	_ =	shalt  }
0x85: {  	_ =	shalt  }
0x86: {  	_ =	shalt  }
0x87: {  	_ =	shalt  }
.Lfunc_end0:
.L_simem_size_0:
called_computation_lowered:
.L_overlay_start_0:
0x88: {  	s2 =	sld [smem:$0x3FD9]  }
0x89: {  	s3 =	sld [smem:$0x3FFE];
	_ =	sdelay $0x1  }
0x8a: {  	s1 =	srdreg.scid  }
0x8b: {  	s0 =	sand.u32 $0x1, s1  }
0x8c: {  	s18 =	sshll.u32 s0, $0xA;
	s2 =	sadd.s32 s3, s2  }
0x8d: {  	s2 =	sadd.s32 s2, s18  }
0x8e: {  	[smem:$0x3FC7] =	sst s2  }
0x8f: {  	_ = 	snop  }
0x90: {  	s2 =	sld [smem:$0x3FC9]  }
0x91: {  	s19 =	sld [smem:$0x3FD0];
	(tm) =	ssettm $0x1  }
0x92: {  	s4 =	sld [smem:$0x3FFB];
	_ =	sdelay $0x3  }
0x93: {  	_ =	strace s4  }
0x94: {  	s4 =	sld [smem:$0x3FFC];
	_ =	sdelay $0x3  }
0x95: {  	_ =	strace s4  }
0x96: {  	s4 =	sld [smem:$0x3FFD];
	_ =	sdelay $0x3  }
0x97: {  	_ =	strace s4  }
0x98: {  	_ =	strace $0x8FFFFFFF  }
0x99: {  	s20 =	sld [smem:$0x3FDB];
	_ =	sdelay $0x1  }
0x9a: {  	s5 =	simm.s32 $_scs_section_size  }
0x9b: {  	s6 =	simm.s32 $_size__tile_overlayer_lowered;
	s7 =	simm.s32 $_tile_overlayer_lowered  }
0x9c: {  	s23 =	simm.s32 $0x1BFF;
	s22 =	sshll.u32 s7, $0x1;
	s4 =	sadd.s32 s5, s20  }
0x9d: {  	s8 =	simm.s32 $0x0;
	s21 =	sshll.u32 s6, $0x1;
	s6 =	sadd.s32 s22, s4  }
0x9e: {  	[timem:s8], [sflag:s23] =	dma.local [hbm:s6], s21  }
0x9f: {  	_ =	swait.ge [sflag:s23], s21  }
0xa0: {  	s5 =	ssub.s32 $0x0, s21;
	[sflag:s23] =	ssyncset.done $0x0  }
0xa1: {  	[sflag:s23] =	ssyncadd.s32 s5;
	_ =	sdelay $0x1  }
0xa2: {  	s24 =	simm.s32 $0x1B8B  }
0xa3: {  	_ =	swait.ge [sflag:s24], $0x1  }
0xa4: {  	[sflag:s24] =	ssyncset.done $0x0  }
0xa5: {  	s25 =	simm.s32 $0x1B8E;
	[sflag:s24] =	ssyncadd.s32 $0xFFFFFFFF  }
0xa6: {  	s26 =	simm.s32 $execute0_lowered;
	[smem:$0x3FD2] =	sst s25  }
0xa7: {  	s5 =	sshll.u32 s26, $0x1;
	_ =	strace $0x80000046;
	[dreg:$0x1] =	wrdreg $0xFFFFFFFF  }
0xa8: {  	s28 =	simm.s32 $_size_execute0_lowered;
	s4 =	sadd.s32 s4, s5;
	[dreg:$0x0] =	wrdreg $0x0  }
0xa9: {  	s5 =	sshll.u32 s28, $0x1;
	[dreg:$0x2] =	wrdreg s4  }
0xaa: {  	[dreg:$0x3] =	wrdreg s5  }
0xab: {  	[dreg:$0x4] =	wrdreg $0xC0  }
0xac: {  	_ =	task [dreg:s8], $0x5FFFF  }
0xad: {  	[dreg:$0x1] =	wrdreg $0xFFFFFFFF  }
0xae: {  	[dreg:$0x0] =	wrdreg $0x60  }
0xaf: {  	[dreg:$0x2] =	wrdreg s2  }
0xb0: {  	[dreg:$0x3] =	wrdreg s19  }
0xb1: {  	[dreg:$0x4] =	wrdreg $0x9  }
0xb2: {  	_ =	task.clear_ibuf [dreg:s8], $0x5FFFF;
	_ =	strace $0x90000046  }
0xb3: {  	s29 =	simm.s32 $0x9;
	_ =	strace $0x80000048  }
0xb4: {  	_ =	swait.ge [sflag:s29], $0x1  }
0xb5: {  	[sflag:s29] =	ssyncadd.s32 $0xFFFFFFFF  }
0xb6: {  	_ =	strace $0x90000048  }
0xb7: {  	_ =	sfence  }
0xb8: {  	s30 =	sld [smem:$0x0];
	_ =	sdelay $0x2  }
0xb9: {  	s31 =	sshll.u32 s1, $0xD;
	s1 =	sshrl.u32 s1, $0x2  }
0xba: {  	s3 =	sand.u32 $0x4000, s31;
	s1 =	sadd.s32 s1, s30  }
0xbb: {  	s0 =	sor.u32 s3, s0;
	s1 =	sshll.u32 s1, $0x11  }
0xbc: {  	s0 =	sor.u32 s1, s0  }
0xbd: {  	s0 =	sadd.s32 $0x8F2B, s0  }
0xbe: {  	[sflag:s0] =	ssyncadd.remote.s32 $0x1  }
0xbf: {  	_ =	sfence.sel $0xFFFF  }
0xc0: {  	[dreg:$0x0] =	wrdreg $0xFFFFFFFF;
	(pc) =	sbr.abs _section_cstart, $3  }
0xc1: {  	[dreg:$0x1] =	wrdreg $0xFFFFFFFF  }
0xc2: {  	_ =	task.clear_ibuf [dreg:s8], $0x2FFFF;
	_ =	strace $0x9FFFFFFF  }
0xc3: {  	(tm) =	ssettm $0x7FFFFFFF  }
tec
execute0_lowered:
.L_overlay_start_1:
0x0: {  	(tag) =	ssettag $0x1  }
0x1: {  	v0 =	vimm.s32 $0xFEDCBA98  }
0x2: {  	v1 =	vimm.s32 $0x76543210;
	v2 =	vimm.s32 $0xBA98FEDC;
	v3 =	vimm.s32 $0x32107654  }
0x3: {  	v4 =	vimm.s32 $0xDCFE98BA;
	v5 =	vimm.s32 $0x54761032;
	v6 =	vimm.s32 $0xEFCDAB89  }
0x4: {  	v7 =	vimm.s32 $0x67452301;
	v0 =	vunpack.c.l.s4.s8 v0;
	v1 =	vunpack.c.l.s4.s8 v1  }
0x5: {  	s0 =	rddreg [dreg:$0x0];
	v2 =	vunpack.c.l.s4.s8 v2;
	v3 =	vunpack.c.l.s4.s8 v3;
	v4 =	vunpack.c.l.s4.s8 v4  }
0x6: {  	s2 =	rddreg [dreg:$0x1];
	s4 =	srdreg.scid;
	v5 =	vunpack.c.l.s4.s8 v5;
	v6 =	vunpack.c.l.s4.s8 v6;
	v7 =	vunpack.c.l.s4.s8 v7  }
0x7: {  	s1 =	rddreg [dreg:$0x2];
	s3 =	simm.s32 $0x0;
	s5 =	sand.u32 $0x1, s4;
	v0 =	vunpack.c.0.s8.s32 v0;
	v1 =	vunpack.c.0.s8.s32 v1;
	v2 =	vunpack.c.0.s8.s32 v2  }
0x8: {  	[smem:$0x7FF] =	sst s3;
	s4 =	stileid.u32;
	s6 =	ssub.s32 $0x2, s5;
	v3 =	vunpack.c.0.s8.s32 v3;
	v4 =	vunpack.c.0.s8.s32 v4;
	v5 =	vunpack.c.0.s8.s32 v5  }
0x9: {  	s8 =	sshll.u32 s4, $0x5;
	s5 =	sshll.u32 s5, $0x4;
	s7 =	sshrl.u32 s6, $0x1;
	v6 =	vunpack.c.0.s8.s32 v6;
	v7 =	vunpack.c.0.s8.s32 v7;
	v0 =	vand.u32 $0xF, v0  }
0xa: {  	_ =	strace $0x80000047;
	s5 =	sor.u32 s5, s8;
	s6 =	ssub.s32 s6, s7;
	v0 =	vcombine.low v0, v1;
	v1 =	vcombine.low v3, v2  }
0xb: {  	s8 =	simm.s32 $0x0;
	s7 =	simm.s32 $0x1;
	s6 =	smax.u32 s6, $0x1;
	v2 =	vcombine.low v5, v4;
	v3 =	vcombine.low v7, v6  }
.LBB2_1:
0xc: {  	s9 =	simm.s32 $0x0  }
.LBB2_2:
0xd: {  	s10 =	sadd.s32 s5, s9  }
0xe: {  	s10 =	sshll.u32 s10, $0xC  }
0xf: {  	s11 =	simm.s32 $0x0;
	s12 =	sadd.s32 s0, s10  }
0x10: {  	[tilespmem:s11], [sflag:$0x1] =	stream.linear.gather [hbm4b:s12+s11], $0x8000, $0x38;
	[tilespmem:$0x8000] =	vst v63  }
0x11: {  	_ =	swait.ge [sflag:s7], $0x8000  }
0x12: {  	[sflag:s7] =	ssyncset.done $0x0  }
0x13: {  	s12 =	simm.s32 $0x40;
	[sflag:s7] =	ssyncadd.s32 $0xFFFF8000  }
.LBB2_3:
0x14: {  	v4 =	vmov s12;
	_ =	sdelay $0x3  }
0x15: {  	s14 =	simm.s32 $0x0  }
0x16: {  	v5 =	vld.idx.msk [tilespmem:v4+s14+$0xFFFFFFC0 ss:$0x1], $0xffff;
	_ =	sdelay $0x4  }
0x17: {  	v5 =	vmul.f32 $1.442695020e+00, v5;
	_ =	sdelay $0x1  }
0x18: {  	(erf) = vpow2.f32 v5;
	_ =	sdelay $0x8  }
0x19: {  	v5 =	vpop (erf)  }
0x1a: {  	[tilespmem:v4+s14+$0xFFFFFFC0 ss:$0x1] =	vst.idx.msk $0xffff, v5  }
0x1b: {  	v6 =	vld.idx.msk [tilespmem:v4+s14+$0xFFFFFFD0 ss:$0x1], $0xffff;
	_ =	sdelay $0x4  }
0x1c: {  	v6 =	vmul.f32 $1.442695020e+00, v6;
	_ =	sdelay $0x1  }
0x1d: {  	(erf) = vpow2.f32 v6;
	_ =	sdelay $0x8  }
0x1e: {  	v6 =	vpop (erf)  }
0x1f: {  	[tilespmem:v4+s14+$0xFFFFFFD0 ss:$0x1] =	vst.idx.msk $0xffff, v6  }
0x20: {  	v7 =	vld.idx.msk [tilespmem:v4+s14+$0xFFFFFFE0 ss:$0x1], $0xffff;
	_ =	sdelay $0x4  }
0x21: {  	v7 =	vmul.f32 $1.442695020e+00, v7;
	_ =	sdelay $0x1  }
0x22: {  	(erf) = vpow2.f32 v7;
	_ =	sdelay $0x8  }
0x23: {  	v8 =	vpop (erf)  }
0x24: {  	[tilespmem:v4+s14+$0xFFFFFFE0 ss:$0x1] =	vst.idx.msk $0xffff, v8  }
0x25: {  	v7 =	vld.idx.msk [tilespmem:v4+s14+$0xFFFFFFF0 ss:$0x1], $0xffff;
	_ =	sdelay $0x4  }
0x26: {  	v7 =	vmul.f32 $1.442695020e+00, v7;
	_ =	sdelay $0x1  }
0x27: {  	(erf) = vpow2.f32 v7;
	_ =	sdelay $0x8  }
0x28: {  	v9 =	vpop (erf)  }
0x29: {  	[tilespmem:v4+s14+$0xFFFFFFF0 ss:$0x1] =	vst.idx.msk $0xffff, v9  }
0x2a: {  	v7 =	vld.idx.msk [tilespmem:v4+s14+$0x0 ss:$0x1], $0xffff;
	_ =	sdelay $0x4  }
0x2b: {  	v7 =	vmul.f32 $1.442695020e+00, v7  }
0x2c: {  	s13 =	simm.s32 $0x400  }
0x2d: {  	(erf) = vpow2.f32 v7;
	v7 =	vld.idx.msk [tilespmem:v4+s13+$0xFFFFFFC0 ss:$0x1], $0xffff;
	_ =	sdelay $0x4  }
0x2e: {  	v7 =	vmul.f32 $1.442695020e+00, v7;
	_ =	sdelay $0x1  }
0x2f: {  	(erf) = vpow2.f32 v7;
	_ =	sdelay $0x1  }
0x30: {  	v10 =	vpop (erf)  }
0x31: {  	[tilespmem:v4+s14+$0x0 ss:$0x1] =	vst.idx.msk $0xffff, v10  }
0x32: {  	v7 =	vld.idx.msk [tilespmem:v4+s14+$0x10 ss:$0x1], $0xffff;
	_ =	sdelay $0x4  }
0x33: {  	v7 =	vmul.f32 $1.442695020e+00, v7;
	v11 =	vpop (erf)  }
0x34: {  	[tilespmem:v4+s13+$0xFFFFFFC0 ss:$0x1] =	vst.idx.msk $0xffff, v11  }
0x35: {  	(erf) = vpow2.f32 v7;
	v7 =	vld.idx.msk [tilespmem:v4+s13+$0xFFFFFFD0 ss:$0x1], $0xffff;
	_ =	sdelay $0x4  }
0x36: {  	v7 =	vmul.f32 $1.442695020e+00, v7;
	_ =	sdelay $0x1  }
0x37: {  	(erf) = vpow2.f32 v7;
	_ =	sdelay $0x1  }
0x38: {  	v12 =	vpop (erf)  }
0x39: {  	[tilespmem:v4+s14+$0x10 ss:$0x1] =	vst.idx.msk $0xffff, v12  }
0x3a: {  	v7 =	vld.idx.msk [tilespmem:v4+s14+$0x20 ss:$0x1], $0xffff;
	_ =	sdelay $0x4  }
0x3b: {  	v7 =	vmul.f32 $1.442695020e+00, v7;
	v13 =	vpop (erf)  }
0x3c: {  	[tilespmem:v4+s13+$0xFFFFFFD0 ss:$0x1] =	vst.idx.msk $0xffff, v13  }
0x3d: {  	(erf) = vpow2.f32 v7;
	v7 =	vld.idx.msk [tilespmem:v4+s13+$0xFFFFFFE0 ss:$0x1], $0xffff;
	_ =	sdelay $0x4  }
0x3e: {  	v7 =	vmul.f32 $1.442695020e+00, v7;
	_ =	sdelay $0x1  }
0x3f: {  	(erf) = vpow2.f32 v7;
	_ =	sdelay $0x3  }
0x40: {  	v14 =	vpop (erf)  }
0x41: {  	[tilespmem:v4+s14+$0x20 ss:$0x1] =	vst.idx.msk $0xffff, v14  }
0x42: {  	v7 =	vld.idx.msk [tilespmem:v4+s14+$0x30 ss:$0x1], $0xffff;
	_ =	sdelay $0x2  }
0x43: {  	v15 =	vpop (erf)  }
0x44: {  	[tilespmem:v4+s13+$0xFFFFFFE0 ss:$0x1] =	vst.idx.msk $0xffff, v15  }
0x45: {  	v7 =	vmul.f32 $1.442695020e+00, v7;
	v16 =	vld.idx.msk [tilespmem:v4+s13+$0xFFFFFFF0 ss:$0x1], $0xffff;
	_ =	sdelay $0x1  }
0x46: {  	(erf) = vpow2.f32 v7;
	v7 =	vimm.f32 $0.0e+00  }
0x47: {  	v6 =	vadd.f32 v6, v7;
	_ =	sdelay $0x1  }
0x48: {  	v6 =	vadd.f32 v13, v6;
	v13 =	vmul.f32 $1.442695020e+00, v16;
	_ =	sdelay $0x1  }
0x49: {  	(erf) = vpow2.f32 v13;
	_ =	sdelay $0x4  }
0x4a: {  	v5 =	vadd.f32 v5, v7;
	v8 =	vadd.f32 v8, v7  }
0x4b: {  	v9 =	vadd.f32 v9, v7;
	v10 =	vadd.f32 v10, v7  }
0x4c: {  	v5 =	vadd.f32 v11, v5;
	v11 =	vadd.f32 v12, v7  }
0x4d: {  	s15 =	simm.s32 $0x2000;
	v12 =	vadd.f32 v14, v7;
	v8 =	vadd.f32 v15, v8;
	v13 =	vpop (erf)  }
.LBB2_4:
0x4e: {  	p0 =	sne.s32 s15, $0x1F000;
	v14 =	vpop (erf);
	[tilespmem:v4+s14+$0x30 ss:$0x1] =	vst.idx.msk $0xffff, v13;
	v7 =	vadd.f32 v13, v7;
	s16 =	smov.u32 s15;
	s15 =	sadd.s32 $0x1000, s15  }
0x4f: {  	s14 =	smov.u32 s13;
	[tilespmem:v4+s13+$0xFFFFFFF0 ss:$0x1] =	vst.idx.msk $0xffff, v14;
	v9 =	vadd.f32 v14, v9  }
0x50: {  	s13 =	sshra.s32 s16, $0x2;
	v13 =	vld.idx.msk [tilespmem:v4+s14+$0x0 ss:$0x1], $0xffff  }
0x51: {  	v14 =	vld.idx.msk [tilespmem:v4+s13+$0xFFFFFFC0 ss:$0x1], $0xffff;
	_ =	sdelay $0x4  }
0x52: {  	v13 =	vmul.f32 $1.442695020e+00, v13  }
0x53: {  	v14 =	vmul.f32 $1.442695020e+00, v14  }
0x54: {  	(erf) = vpow2.f32 v13  }
0x55: {  	(erf) = vpow2.f32 v14;
	_ =	sdelay $0x7  }
0x56: {  	v13 =	vpop (erf)  }
0x57: {  	v14 =	vpop (erf);
	[tilespmem:v4+s14+$0x0 ss:$0x1] =	vst.idx.msk $0xffff, v13;
	v10 =	vadd.f32 v13, v10  }
0x58: {  	[tilespmem:v4+s13+$0xFFFFFFC0 ss:$0x1] =	vst.idx.msk $0xffff, v14;
	v5 =	vadd.f32 v14, v5;
	v13 =	vld.idx.msk [tilespmem:v4+s14+$0x10 ss:$0x1], $0xffff  }
0x59: {  	v14 =	vld.idx.msk [tilespmem:v4+s13+$0xFFFFFFD0 ss:$0x1], $0xffff;
	_ =	sdelay $0x4  }
0x5a: {  	v13 =	vmul.f32 $1.442695020e+00, v13  }
0x5b: {  	v14 =	vmul.f32 $1.442695020e+00, v14  }
0x5c: {  	(erf) = vpow2.f32 v13  }
0x5d: {  	(erf) = vpow2.f32 v14;
	_ =	sdelay $0x7  }
0x5e: {  	v13 =	vpop (erf)  }
0x5f: {  	v14 =	vpop (erf);
	[tilespmem:v4+s14+$0x10 ss:$0x1] =	vst.idx.msk $0xffff, v13;
	v11 =	vadd.f32 v13, v11  }
0x60: {  	[tilespmem:v4+s13+$0xFFFFFFD0 ss:$0x1] =	vst.idx.msk $0xffff, v14;
	v6 =	vadd.f32 v14, v6;
	v13 =	vld.idx.msk [tilespmem:v4+s14+$0x20 ss:$0x1], $0xffff  }
0x61: {  	v14 =	vld.idx.msk [tilespmem:v4+s13+$0xFFFFFFE0 ss:$0x1], $0xffff;
	_ =	sdelay $0x4  }
0x62: {  	v13 =	vmul.f32 $1.442695020e+00, v13  }
0x63: {  	v14 =	vmul.f32 $1.442695020e+00, v14  }
0x64: {  	(erf) = vpow2.f32 v13  }
0x65: {  	(erf) = vpow2.f32 v14;
	_ =	sdelay $0x7  }
0x66: {  	v13 =	vpop (erf)  }
0x67: {  	v14 =	vpop (erf);
	[tilespmem:v4+s14+$0x20 ss:$0x1] =	vst.idx.msk $0xffff, v13;
	v12 =	vadd.f32 v13, v12  }
0x68: {  	[tilespmem:v4+s13+$0xFFFFFFE0 ss:$0x1] =	vst.idx.msk $0xffff, v14;
	v8 =	vadd.f32 v14, v8;
	v13 =	vld.idx.msk [tilespmem:v4+s14+$0x30 ss:$0x1], $0xffff  }
0x69: {  	v14 =	vld.idx.msk [tilespmem:v4+s13+$0xFFFFFFF0 ss:$0x1], $0xffff;
	_ =	sdelay $0x4  }
0x6a: {  	v13 =	vmul.f32 $1.442695020e+00, v13  }
0x6b: {  	v14 =	vmul.f32 $1.442695020e+00, v14  }
0x6c: {  	(erf) = vpow2.f32 v13  }
0x6d: {  	(erf) = vpow2.f32 v14;
	_ =	sdelay $0x3  }
.Ltmp0:
0x6e: {  	(pc) =	sbr.rel @p0 .LBB2_4-.Ltmp0, $2  }
0x6f: {  	_ =	sdelay $0x2  }
0x70: {  	v13 =	vpop (erf)  }
0x71: {  	_ =	sdelay $0x3  }
0x72: {  	v14 =	vpop (erf);
	[tilespmem:v4+s14+$0x30 ss:$0x1] =	vst.idx.msk $0xffff, v13  }
0x73: {  	[tilespmem:v4+s13+$0xFFFFFFF0 ss:$0x1] =	vst.idx.msk $0xffff, v14  }
0x74: {  	v15 =	vld.idx.msk [tilespmem:v4+s13+$0x0 ss:$0x1], $0xffff;
	_ =	sdelay $0x4  }
0x75: {  	v15 =	vmul.f32 $1.442695020e+00, v15;
	_ =	sdelay $0x1  }
0x76: {  	(erf) = vpow2.f32 v15;
	_ =	sdelay $0x8  }
0x77: {  	v15 =	vpop (erf)  }
0x78: {  	[tilespmem:v4+s13+$0x0 ss:$0x1] =	vst.idx.msk $0xffff, v15  }
0x79: {  	v16 =	vld.idx.msk [tilespmem:v4+s13+$0x10 ss:$0x1], $0xffff;
	_ =	sdelay $0x4  }
0x7a: {  	v16 =	vmul.f32 $1.442695020e+00, v16;
	_ =	sdelay $0x1  }
0x7b: {  	(erf) = vpow2.f32 v16;
	_ =	sdelay $0x8  }
0x7c: {  	v16 =	vpop (erf)  }
0x7d: {  	[tilespmem:v4+s13+$0x10 ss:$0x1] =	vst.idx.msk $0xffff, v16  }
0x7e: {  	v17 =	vld.idx.msk [tilespmem:v4+s13+$0x20 ss:$0x1], $0xffff;
	_ =	sdelay $0x4  }
0x7f: {  	v17 =	vmul.f32 $1.442695020e+00, v17;
	_ =	sdelay $0x1  }
0x80: {  	(erf) = vpow2.f32 v17;
	_ =	sdelay $0x8  }
0x81: {  	v17 =	vpop (erf)  }
0x82: {  	[tilespmem:v4+s13+$0x20 ss:$0x1] =	vst.idx.msk $0xffff, v17  }
0x83: {  	v18 =	vld.idx.msk [tilespmem:v4+s13+$0x30 ss:$0x1], $0xffff;
	_ =	sdelay $0x4  }
0x84: {  	v18 =	vmul.f32 $1.442695020e+00, v18;
	_ =	sdelay $0x1  }
0x85: {  	(erf) = vpow2.f32 v18;
	_ =	sdelay $0x7  }
0x86: {  	v7 =	vadd.f32 v13, v7;
	v9 =	vadd.f32 v14, v9  }
0x87: {  	v10 =	vadd.f32 v15, v10;
	v11 =	vadd.f32 v16, v11;
	v63 =	vpop (erf)  }
0x88: {  	v12 =	vadd.f32 v17, v12;
	v7 =	vadd.f32 v63, v7  }
0x89: {  	v5 =	vadd.f32 v6, v5;
	v6 =	vadd.f32 v9, v8  }
0x8a: {  	v8 =	vadd.f32 v11, v10;
	v7 =	vadd.f32 v7, v12;
	_ =	sdelay $0x1  }
0x8b: {  	v5 =	vadd.f32 v6, v5;
	v6 =	vadd.f32 v7, v8;
	_ =	sdelay $0x1  }
0x8c: {  	v5 =	vadd.f32 v6, v5;
	_ =	sdelay $0x1  }
0x8d: {  	v6 =	vperm.xlane v5, v0;
	_ =	sdelay $0x1  }
0x8e: {  	v5 =	vadd.f32 v6, v5;
	_ =	sdelay $0x1  }
0x8f: {  	v6 =	vperm.xlane v5, v1;
	_ =	sdelay $0x1  }
0x90: {  	v5 =	vadd.f32 v6, v5;
	_ =	sdelay $0x1  }
0x91: {  	v6 =	vperm.xlane v5, v2;
	_ =	sdelay $0x1  }
0x92: {  	v5 =	vadd.f32 v6, v5;
	_ =	sdelay $0x1  }
0x93: {  	v6 =	vperm.xlane v5, v3;
	_ =	sdelay $0x1  }
0x94: {  	v5 =	vadd.f32 v6, v5;
	_ =	sdelay $0x1  }
0x95: {  	(erf) = vrcp.f32 v5;
	_ =	sdelay $0x3  }
0x96: {  	s14 =	simm.s32 $0x0  }
0x97: {  	v6 =	vld.idx.msk [tilespmem:v4+s14+$0xFFFFFFC0 ss:$0x1], $0xffff;
	_ =	sdelay $0x3  }
0x98: {  	v5 =	vpop (erf)  }
0x99: {  	v6 =	vmul.f32 v6, v5;
	_ =	sdelay $0x1  }
0x9a: {  	[tilespmem:v4+s14+$0xFFFFFFC0 ss:$0x1] =	vst.idx.msk $0xffff, v6  }
0x9b: {  	v6 =	vld.idx.msk [tilespmem:v4+s14+$0xFFFFFFD0 ss:$0x1], $0xffff;
	_ =	sdelay $0x4  }
0x9c: {  	v6 =	vmul.f32 v6, v5;
	_ =	sdelay $0x1  }
0x9d: {  	[tilespmem:v4+s14+$0xFFFFFFD0 ss:$0x1] =	vst.idx.msk $0xffff, v6  }
0x9e: {  	v6 =	vld.idx.msk [tilespmem:v4+s14+$0xFFFFFFE0 ss:$0x1], $0xffff;
	_ =	sdelay $0x4  }
0x9f: {  	v6 =	vmul.f32 v6, v5;
	_ =	sdelay $0x1  }
0xa0: {  	[tilespmem:v4+s14+$0xFFFFFFE0 ss:$0x1] =	vst.idx.msk $0xffff, v6  }
0xa1: {  	v6 =	vld.idx.msk [tilespmem:v4+s14+$0xFFFFFFF0 ss:$0x1], $0xffff;
	_ =	sdelay $0x4  }
0xa2: {  	v6 =	vmul.f32 v6, v5  }
0xa3: {  	[tilespmem:v4+s13+$0x30 ss:$0x1] =	vst.idx.msk $0xffff, v63  }
0xa4: {  	[tilespmem:v4+s14+$0xFFFFFFF0 ss:$0x1] =	vst.idx.msk $0xffff, v6  }
0xa5: {  	s13 =	simm.s32 $0x400;
	v6 =	vld.idx.msk [tilespmem:v4+s14+$0x0 ss:$0x1], $0xffff  }
0xa6: {  	v7 =	vld.idx.msk [tilespmem:v4+s13+$0xFFFFFFC0 ss:$0x1], $0xffff;
	_ =	sdelay $0x3  }
0xa7: {  	v6 =	vmul.f32 v6, v5  }
0xa8: {  	v7 =	vmul.f32 v7, v5  }
0xa9: {  	[tilespmem:v4+s14+$0x0 ss:$0x1] =	vst.idx.msk $0xffff, v6  }
0xaa: {  	[tilespmem:v4+s13+$0xFFFFFFC0 ss:$0x1] =	vst.idx.msk $0xffff, v7;
	v6 =	vld.idx.msk [tilespmem:v4+s14+$0x10 ss:$0x1], $0xffff  }
0xab: {  	v7 =	vld.idx.msk [tilespmem:v4+s13+$0xFFFFFFD0 ss:$0x1], $0xffff;
	_ =	sdelay $0x3  }
0xac: {  	v6 =	vmul.f32 v6, v5  }
0xad: {  	v7 =	vmul.f32 v7, v5  }
0xae: {  	[tilespmem:v4+s14+$0x10 ss:$0x1] =	vst.idx.msk $0xffff, v6  }
0xaf: {  	[tilespmem:v4+s13+$0xFFFFFFD0 ss:$0x1] =	vst.idx.msk $0xffff, v7;
	v6 =	vld.idx.msk [tilespmem:v4+s14+$0x20 ss:$0x1], $0xffff  }
0xb0: {  	v7 =	vld.idx.msk [tilespmem:v4+s13+$0xFFFFFFE0 ss:$0x1], $0xffff;
	_ =	sdelay $0x3  }
0xb1: {  	v6 =	vmul.f32 v6, v5  }
0xb2: {  	v7 =	vmul.f32 v7, v5  }
0xb3: {  	[tilespmem:v4+s14+$0x20 ss:$0x1] =	vst.idx.msk $0xffff, v6  }
0xb4: {  	[tilespmem:v4+s13+$0xFFFFFFE0 ss:$0x1] =	vst.idx.msk $0xffff, v7;
	v6 =	vld.idx.msk [tilespmem:v4+s14+$0x30 ss:$0x1], $0xffff  }
0xb5: {  	v8 =	vld.idx.msk [tilespmem:v4+s13+$0xFFFFFFF0 ss:$0x1], $0xffff;
	_ =	sdelay $0x3  }
0xb6: {  	v7 =	vmul.f32 v6, v5  }
0xb7: {  	s15 =	simm.s32 $0x2000;
	v6 =	vmul.f32 v8, v5  }
.LBB2_6:
0xb8: {  	p0 =	sne.s32 s15, $0x1F000;
	[tilespmem:v4+s14+$0x30 ss:$0x1] =	vst.idx.msk $0xffff, v7;
	s16 =	smov.u32 s15;
	s15 =	sadd.s32 $0x1000, s15  }
0xb9: {  	s14 =	smov.u32 s13;
	[tilespmem:v4+s13+$0xFFFFFFF0 ss:$0x1] =	vst.idx.msk $0xffff, v6  }
0xba: {  	s13 =	sshra.s32 s16, $0x2;
	v6 =	vld.idx.msk [tilespmem:v4+s14+$0x0 ss:$0x1], $0xffff  }
0xbb: {  	v7 =	vld.idx.msk [tilespmem:v4+s13+$0xFFFFFFC0 ss:$0x1], $0xffff;
	_ =	sdelay $0x4  }
0xbc: {  	v6 =	vmul.f32 v6, v5  }
0xbd: {  	v7 =	vmul.f32 v7, v5  }
0xbe: {  	[tilespmem:v4+s14+$0x0 ss:$0x1] =	vst.idx.msk $0xffff, v6  }
0xbf: {  	[tilespmem:v4+s13+$0xFFFFFFC0 ss:$0x1] =	vst.idx.msk $0xffff, v7;
	v6 =	vld.idx.msk [tilespmem:v4+s14+$0x10 ss:$0x1], $0xffff  }
0xc0: {  	v7 =	vld.idx.msk [tilespmem:v4+s13+$0xFFFFFFD0 ss:$0x1], $0xffff;
	_ =	sdelay $0x4  }
0xc1: {  	v6 =	vmul.f32 v6, v5  }
0xc2: {  	v7 =	vmul.f32 v7, v5  }
0xc3: {  	[tilespmem:v4+s14+$0x10 ss:$0x1] =	vst.idx.msk $0xffff, v6  }
0xc4: {  	[tilespmem:v4+s13+$0xFFFFFFD0 ss:$0x1] =	vst.idx.msk $0xffff, v7;
	v6 =	vld.idx.msk [tilespmem:v4+s14+$0x20 ss:$0x1], $0xffff  }
0xc5: {  	v7 =	vld.idx.msk [tilespmem:v4+s13+$0xFFFFFFE0 ss:$0x1], $0xffff;
	_ =	sdelay $0x4  }
0xc6: {  	v6 =	vmul.f32 v6, v5  }
0xc7: {  	v7 =	vmul.f32 v7, v5  }
0xc8: {  	[tilespmem:v4+s14+$0x20 ss:$0x1] =	vst.idx.msk $0xffff, v6  }
0xc9: {  	[tilespmem:v4+s13+$0xFFFFFFE0 ss:$0x1] =	vst.idx.msk $0xffff, v7;
	v6 =	vld.idx.msk [tilespmem:v4+s14+$0x30 ss:$0x1], $0xffff  }
0xca: {  	v8 =	vld.idx.msk [tilespmem:v4+s13+$0xFFFFFFF0 ss:$0x1], $0xffff;
	_ =	sdelay $0x1  }
.Ltmp1:
0xcb: {  	(pc) =	sbr.rel @p0 .LBB2_6-.Ltmp1, $3  }
0xcc: {  	_ =	sdelay $0x1  }
0xcd: {  	v7 =	vmul.f32 v6, v5  }
0xce: {  	v6 =	vmul.f32 v8, v5  }
0xcf: {  	_ =	sdelay $0x3  }
0xd0: {  	[tilespmem:v4+s14+$0x30 ss:$0x1] =	vst.idx.msk $0xffff, v7  }
0xd1: {  	[tilespmem:v4+s13+$0xFFFFFFF0 ss:$0x1] =	vst.idx.msk $0xffff, v6  }
0xd2: {  	v6 =	vld.idx.msk [tilespmem:v4+s13+$0x0 ss:$0x1], $0xffff;
	_ =	sdelay $0x4  }
0xd3: {  	v6 =	vmul.f32 v6, v5;
	_ =	sdelay $0x1  }
0xd4: {  	[tilespmem:v4+s13+$0x0 ss:$0x1] =	vst.idx.msk $0xffff, v6  }
0xd5: {  	v6 =	vld.idx.msk [tilespmem:v4+s13+$0x10 ss:$0x1], $0xffff;
	_ =	sdelay $0x4  }
0xd6: {  	v6 =	vmul.f32 v6, v5;
	_ =	sdelay $0x1  }
0xd7: {  	[tilespmem:v4+s13+$0x10 ss:$0x1] =	vst.idx.msk $0xffff, v6  }
0xd8: {  	v6 =	vld.idx.msk [tilespmem:v4+s13+$0x20 ss:$0x1], $0xffff;
	_ =	sdelay $0x4  }
0xd9: {  	v6 =	vmul.f32 v6, v5;
	_ =	sdelay $0x1  }
0xda: {  	[tilespmem:v4+s13+$0x20 ss:$0x1] =	vst.idx.msk $0xffff, v6  }
0xdb: {  	v6 =	vld.idx.msk [tilespmem:v4+s13+$0x30 ss:$0x1], $0xffff  }
0xdc: {  	s11 =	sadd.s32 $0x1, s11  }
0xdd: {  	p0 =	sne.s32 s11, $0x8  }
.Ltmp2:
0xde: {  	_ = 	snop;
	(pc) =	sbr.rel @p0 .LBB2_3-.Ltmp2, $3  }
0xdf: {  	_ = 	snop  }
0xe0: {  	v5 =	vmul.f32 v6, v5;
	_ =	sdelay $0x1  }
0xe1: {  	s12 =	sadd.s32 $0x80, s12;
	[tilespmem:v4+s13+$0x30 ss:$0x1] =	vst.idx.msk $0xffff, v5  }
0xe2: {  	s9 =	sadd.s32 $0x1, s9  }
0xe3: {  	p0 =	sne.s32 s9, $0x10  }
.Ltmp3:
0xe4: {  	s10 =	sadd.s32 s2, s10;
	(pc) =	sbr.rel @p0 .LBB2_2-.Ltmp3, $4  }
0xe5: {  	[hbm4b:s10+s3] =	stream.linear.scatter [tilespmem:s3], [sflag:$0x1], $0x8000, $0x38;
	[tilespmem:$0x8000] =	vst v63  }
0xe6: {  	_ =	swait.ge [sflag:s7], $0x8000  }
0xe7: {  	[sflag:s7] =	ssyncset.done $0x0  }
0xe8: {  	[sflag:s7] =	ssyncadd.s32 $0xFFFF8000  }
0xe9: {  	s8 =	sadd.s32 $0x1, s8  }
0xea: {  	p0 =	sne.s32 s8, s6  }
.Ltmp4:
0xeb: {  	_ = 	snop;
	(pc) =	sbr.rel @p0 .LBB2_1-.Ltmp4, $1  }
0xec: {  	_ =	sdelay $0x3  }
0xed: {  	_ =	sfence.sel $0x180000  }
0xee: {  	[bflag:$0x0] =	sbarrier.arrive $0xFFFF  }
0xef: {  	p0 =	sne.s32 s4, $0x0;
	_ =	strace $0x90000047  }
0xf0: {  	s0 =	sadd.s32 @!p0 $0x100000, s1;
	[bflag:$0x2] =	sbarrier.arrive $0xFFFF  }
0xf1: {  	[sflag:s0] =	ssyncadd.tile.s32 @!p0 $0x1;
	_ =	shalt  }
.Lfunc_end2:
_tile_overlayer_lowered:
.L_overlay_start_2:
0xf2: {  	(tag) =	ssettag $0x2  }
0xf3: {  	s0 =	rddreg [dreg:$0x0];
	s2 =	stileid.u32  }
0xf4: {  	s1 =	rddreg [dreg:$0x1];
	p0 =	sne.s32 s2, $0x0  }
0xf5: {  	s3 =	rddreg [dreg:$0x2];
	[bflag:$0x3] =	sbarrier.arrive $0xFFFF;
	s2 =	simm.s32 @!p0 $0x1C01  }
0xf6: {  	[timem:s3], [sflag:s2] =	dma.local @!p0 [hbm:s0], s1  }
0xf7: {  	s0 =	simm.s32 @!p0 $0x1  }
0xf8: {  	_ =	swait.ge @!p0 [sflag:s0], s1  }
0xf9: {  	s1 =	ssub.s32 @!p0 $0x0, s1;
	[sflag:s0] =	ssyncset.done @!p0 $0x0  }
0xfa: {  	[sflag:s0] =	ssyncadd.s32 @!p0 s1  }
0xfb: {  	[bflag:$0x3] =	sbarrier.arrive $0xFFFF  }
0xfc: {  	_ =	shalt  }

</sc_bundles>
